<compile_context>
chip_gen: v7x
topology: tpu7x:2x2x1
jax: 0.10.2.dev20260603
libtpu: 0.0.44.dev20260713+nightly
codegen_flags: <defaults>
</compile_context>

<pallas_src>
import functools
import numpy as np
import jax
import jax.numpy as jnp
from jax import lax
from jax.experimental import pallas as pl
from jax.experimental.pallas import tpu as pltpu
from jax.experimental.pallas import tpu_sc as plsc

_N = 256
_T = _N * (_N - 1) // 2
_B = 1024


def _dst_table():
    dst = np.empty((_T,), dtype=np.int32)
    j = 0
    for d in range(1, _N):
        for k in range(_N - d):
            dst[j] = (d + k) * _N + k
            j += 1
    return dst

_DST = _dst_table()

_NC, _NS, _L = 2, 16, 16
_NW = _NC * _NS
_EPW = _B // _NW
_G = _T // _L
_NQ = 4
_QW = _N * _N // _NQ


def _sc_body(v_hbm, u_hbm, dst_hbm, o_hbm, v_buf, idx_buf, out_buf, sem_in,
             sem_out):
    wid = lax.axis_index("s") * _NC + lax.axis_index("c")
    base = wid * _EPW
    pltpu.sync_copy(dst_hbm, idx_buf)
    pltpu.sync_copy(u_hbm, out_buf)
    pltpu.async_copy(v_hbm.at[base], v_buf, sem_in)

    def elem(e, carry):
        b = base + e
        pltpu.make_async_copy(v_hbm.at[b], v_buf, sem_in).wait()

        @pl.when(e > 0)
        def _wait_prev_out():
            for q in range(_NQ):
                pltpu.make_async_copy(
                    out_buf.at[pl.ds(q * _QW, _QW)],
                    o_hbm.at[b - 1, pl.ds(q * _QW, _QW)], sem_out).wait()

        @plsc.parallel_loop(0, _G, step=1, unroll=8)
        def grp(g):
            s = v_buf[pl.ds(g * _L, _L)]
            di = idx_buf[pl.ds(g * _L, _L)]
            plsc.store_scatter(out_buf, [di], s)

        for q in range(_NQ):
            pltpu.async_copy(out_buf.at[pl.ds(q * _QW, _QW)],
                             o_hbm.at[b, pl.ds(q * _QW, _QW)], sem_out)

        @pl.when(e + 1 < _EPW)
        def _prefetch_next_v():
            pltpu.async_copy(v_hbm.at[b + 1], v_buf, sem_in)

        return carry

    lax.fori_loop(0, _EPW, elem, 0)
    last = base + _EPW - 1
    for q in range(_NQ):
        pltpu.make_async_copy(out_buf.at[pl.ds(q * _QW, _QW)],
                              o_hbm.at[last, pl.ds(q * _QW, _QW)],
                              sem_out).wait()


def kernel(inputs, unit_matrix):
    u_flat = jnp.reshape(unit_matrix, (_N * _N,))
    mesh = plsc.VectorSubcoreMesh(core_axis_name="c", subcore_axis_name="s")
    fn = functools.partial(
        pl.kernel,
        out_type=jax.ShapeDtypeStruct((_B, _N * _N), jnp.float32),
        mesh=mesh,
        scratch_types=[
            pltpu.VMEM((_T,), jnp.float32),
            pltpu.VMEM((_T,), jnp.int32),
            pltpu.VMEM((_N * _N,), jnp.float32),
            pltpu.SemaphoreType.DMA,
            pltpu.SemaphoreType.DMA,
        ],
        compiler_params=pltpu.CompilerParams(needs_layout_passes=False),
    )(_sc_body)
    out = fn(inputs, u_flat, jnp.asarray(_DST))
    return jnp.reshape(out, (_B, _N, _N))

# --- scband reference (transcript-rebuilt; emitter-appended) ---
"""Pipeline reference for scband-fill-lower-matrix-2396591751299 (READ-ONLY COPY).

The authoritative reference and input builder live on the scoring server;
editing this copy changes nothing except your own understanding.
"""

import jax, jax.numpy as jnp
import numpy as np

N = 256
B = 1024


def _build_indices(n):
    idx = []
    for diag in range(1, n):
        for k in range(n - diag):
            idx.append([diag + k, k])
    return np.array(idx, dtype=np.int64)

_IDX = _build_indices(N)
_ROWS = jnp.asarray(_IDX[:, 0])
_COLS = jnp.asarray(_IDX[:, 1])


def setup_inputs(seed: int = 0) -> dict:
    key = jax.random.key(seed)
    vec_len = N * (N - 1) // 2
    inputs = jax.random.normal(key, (B, vec_len), dtype=jnp.float32)
    # learned parameter: the diagonal 'unit matrix' tf.Variable (initialized to identity)
    unit_matrix = jnp.eye(N, dtype=jnp.float32)
    return {"inputs": inputs, "unit_matrix": unit_matrix}


def reference(inputs, unit_matrix):
    # tf.map_fn(lambda x: tf.scatter_nd(indices, x, (N, N)) + unit_matrix, inputs)
    # vectorized over the batch: scatter each row's 32640 values into the
    # strictly-lower-triangular positions (diagonal-by-diagonal ordering),
    # then add the (learned) identity matrix.
    b = inputs.shape[0]
    out = jnp.zeros((b, N, N), dtype=inputs.dtype).at[:, _ROWS, _COLS].set(inputs)
    return out + unit_matrix[None, :, :]

if __name__ == "__main__":
    import jax
    _d = setup_inputs()
    print(jax.jit(kernel)(*tuple(_d.values())))

</pallas_src>

<mosaic_0001>
#map = affine_map<(d0, d1) -> (0, 0)>
#map1 = affine_map<(d0, d1) -> (0)>
module attributes {stable_mosaic.version = 14 : i64} {
  func.func @_sc_body(%arg0: i32, %arg1: i32, %arg2: memref<1024x32640xf32, #tpu.memory_space<hbm>>, %arg3: memref<65536xf32, #tpu.memory_space<hbm>>, %arg4: memref<32640xi32, #tpu.memory_space<hbm>>, %arg5: memref<1024x65536xf32, #tpu.memory_space<hbm>>, %arg6: memref<32640xf32, #tpu.memory_space<vmem>>, %arg7: memref<32640xi32, #tpu.memory_space<vmem>>, %arg8: memref<65536xf32, #tpu.memory_space<vmem>>, %arg9: memref<!tpu.dma_semaphore, #tpu.memory_space<semaphore_mem>>, %arg10: memref<!tpu.dma_semaphore, #tpu.memory_space<semaphore_mem>>) attributes {dimension_semantics = [#tpu.dimension_semantics<core_parallel>, #tpu.dimension_semantics<subcore_parallel>], iteration_bounds = array<i64: 2, 16>, scalar_prefetch = 0 : i64, scratch_operands = 5 : i64, tpu.core_type = #tpu.core_type<sc_vector_subcore>, window_params = [{transform_indices = #map}, {transform_indices = #map1}, {transform_indices = #map1}, {transform_indices = #map}]} {
    %mul3A = arith.constant 2 : i32
    %mul3A_0 = arith.muli %arg1, %mul3A : i32
    %add3A = arith.addi %mul3A_0, %arg0 : i32
    %mul3A_1 = arith.constant 32 : i32
    %mul3A_2 = arith.muli %add3A, %mul3A_1 : i32
    "tpu.region"() ({
      %run_scoped3A = tpu.sem_alloc : memref<!tpu.dma_semaphore, #tpu.memory_space<semaphore_mem>>
      tpu.enqueue_dma source(%arg4 : memref<32640xi32, #tpu.memory_space<hbm>>) target(%arg7 : memref<32640xi32, #tpu.memory_space<vmem>>) target_semaphore(%run_scoped3A : memref<!tpu.dma_semaphore, #tpu.memory_space<semaphore_mem>>)
      tpu.wait_dma2 semaphore(%run_scoped3A : memref<!tpu.dma_semaphore, #tpu.memory_space<semaphore_mem>>) src(%arg4 : memref<32640xi32, #tpu.memory_space<hbm>>) dst(%arg7 : memref<32640xi32, #tpu.memory_space<vmem>>)
      tpu.yield
    }) : () -> ()
    "tpu.region"() ({
      %run_scoped3A = tpu.sem_alloc : memref<!tpu.dma_semaphore, #tpu.memory_space<semaphore_mem>>
      tpu.enqueue_dma source(%arg3 : memref<65536xf32, #tpu.memory_space<hbm>>) target(%arg8 : memref<65536xf32, #tpu.memory_space<vmem>>) target_semaphore(%run_scoped3A : memref<!tpu.dma_semaphore, #tpu.memory_space<semaphore_mem>>)
      tpu.wait_dma2 semaphore(%run_scoped3A : memref<!tpu.dma_semaphore, #tpu.memory_space<semaphore_mem>>) src(%arg3 : memref<65536xf32, #tpu.memory_space<hbm>>) dst(%arg8 : memref<65536xf32, #tpu.memory_space<vmem>>)
      tpu.yield
    }) : () -> ()
    %dma_start3A = arith.constant 0 : i32
    %dma_start3A_3 = tpu.memref_slice %arg2[%mul3A_2, %dma_start3A] : memref<1024x32640xf32, #tpu.memory_space<hbm>> -> memref<1x32640xf32, #tpu.memory_space<hbm>>
    %dma_start3A_4 = tpu.memref_squeeze %dma_start3A_3 : memref<1x32640xf32, #tpu.memory_space<hbm>> -> memref<32640xf32, #tpu.memory_space<hbm>>
    %dma_start3A_5 = arith.constant 0 : i32
    %dma_start3A_6 = tpu.memref_slice %arg2[%mul3A_2, %dma_start3A_5] : memref<1024x32640xf32, #tpu.memory_space<hbm>> -> memref<1x32640xf32, #tpu.memory_space<hbm>>
    %dma_start3A_7 = tpu.memref_squeeze %dma_start3A_6 : memref<1x32640xf32, #tpu.memory_space<hbm>> -> memref<32640xf32, #tpu.memory_space<hbm>>
    tpu.enqueue_dma source(%dma_start3A_7 : memref<32640xf32, #tpu.memory_space<hbm>>) target(%arg6 : memref<32640xf32, #tpu.memory_space<vmem>>) target_semaphore(%arg9 : memref<!tpu.dma_semaphore, #tpu.memory_space<semaphore_mem>>)
    %scan3A = arith.constant 0 : i32
    %scan3A_8 = arith.constant 0 : i32
    %scan3A_9 = arith.constant 32 : i32
    %scan3A_10 = arith.addi %scan3A_8, %scan3A_9 : i32
    %scan3A_11 = arith.constant 1 : i32
    scf.for %scan3A_55 = %scan3A_8 to %scan3A_10 step %scan3A_11  : i32 {
      %add3A_56 = arith.addi %mul3A_2, %scan3A_55 : i32
      %dma_wait3A_57 = arith.constant 0 : i32
      %dma_wait3A_58 = tpu.memref_slice %arg2[%add3A_56, %dma_wait3A_57] : memref<1024x32640xf32, #tpu.memory_space<hbm>> -> memref<1x32640xf32, #tpu.memory_space<hbm>>
      %dma_wait3A_59 = tpu.memref_squeeze %dma_wait3A_58 : memref<1x32640xf32, #tpu.memory_space<hbm>> -> memref<32640xf32, #tpu.memory_space<hbm>>
      %dma_wait3A_60 = arith.constant 0 : i32
      %dma_wait3A_61 = tpu.memref_slice %arg2[%add3A_56, %dma_wait3A_60] : memref<1024x32640xf32, #tpu.memory_space<hbm>> -> memref<1x32640xf32, #tpu.memory_space<hbm>>
      %dma_wait3A_62 = tpu.memref_squeeze %dma_wait3A_61 : memref<1x32640xf32, #tpu.memory_space<hbm>> -> memref<32640xf32, #tpu.memory_space<hbm>>
      tpu.wait_dma2 semaphore(%arg9 : memref<!tpu.dma_semaphore, #tpu.memory_space<semaphore_mem>>) src(%dma_wait3A_62 : memref<32640xf32, #tpu.memory_space<hbm>>) dst(%arg6 : memref<32640xf32, #tpu.memory_space<vmem>>)
      %gt3A = arith.constant 0 : i32
      %gt3A_63 = arith.cmpi sgt, %scan3A_55, %gt3A : i32
      %convert_element_type3A = arith.extui %gt3A_63 : i1 to i32
      %cond3A = arith.constant 0 : i32
      %cond3A_64 = arith.cmpi ne, %convert_element_type3A, %cond3A : i32
      scf.if %cond3A_64 {
        %sub3A_113 = arith.constant 1 : i32
        %sub3A_114 = arith.subi %add3A_56, %sub3A_113 : i32
        %dma_wait3A_115 = arith.constant 0 : i32
        %dma_wait3A_116 = tpu.memref_slice %arg8[%dma_wait3A_115] : memref<65536xf32, #tpu.memory_space<vmem>> -> memref<16384xf32, #tpu.memory_space<vmem>>
        %dma_wait3A_117 = arith.constant 0 : i32
        %dma_wait3A_118 = tpu.memref_slice %arg5[%sub3A_114, %dma_wait3A_117] : memref<1024x65536xf32, #tpu.memory_space<hbm>> -> memref<1x16384xf32, #tpu.memory_space<hbm>>
        %dma_wait3A_119 = tpu.memref_squeeze %dma_wait3A_118 : memref<1x16384xf32, #tpu.memory_space<hbm>> -> memref<16384xf32, #tpu.memory_space<hbm>>
        %dma_wait3A_120 = arith.constant 0 : i32
        %dma_wait3A_121 = tpu.memref_slice %arg5[%sub3A_114, %dma_wait3A_120] : memref<1024x65536xf32, #tpu.memory_space<hbm>> -> memref<1x16384xf32, #tpu.memory_space<hbm>>
        %dma_wait3A_122 = tpu.memref_squeeze %dma_wait3A_121 : memref<1x16384xf32, #tpu.memory_space<hbm>> -> memref<16384xf32, #tpu.memory_space<hbm>>
        %dma_wait3A_123 = arith.constant 0 : i32
        %dma_wait3A_124 = tpu.memref_slice %arg8[%dma_wait3A_123] : memref<65536xf32, #tpu.memory_space<vmem>> -> memref<16384xf32, #tpu.memory_space<vmem>>
        tpu.wait_dma2 semaphore(%arg10 : memref<!tpu.dma_semaphore, #tpu.memory_space<semaphore_mem>>) src(%dma_wait3A_124 : memref<16384xf32, #tpu.memory_space<vmem>>) dst(%dma_wait3A_122 : memref<16384xf32, #tpu.memory_space<hbm>>)
        %sub3A_125 = arith.constant 1 : i32
        %sub3A_126 = arith.subi %add3A_56, %sub3A_125 : i32
        %dma_wait3A_127 = arith.constant 16384 : i32
        %dma_wait3A_128 = tpu.memref_slice %arg8[%dma_wait3A_127] : memref<65536xf32, #tpu.memory_space<vmem>> -> memref<16384xf32, #tpu.memory_space<vmem>>
        %dma_wait3A_129 = arith.constant 16384 : i32
        %dma_wait3A_130 = tpu.memref_slice %arg5[%sub3A_126, %dma_wait3A_129] : memref<1024x65536xf32, #tpu.memory_space<hbm>> -> memref<1x16384xf32, #tpu.memory_space<hbm>>
        %dma_wait3A_131 = tpu.memref_squeeze %dma_wait3A_130 : memref<1x16384xf32, #tpu.memory_space<hbm>> -> memref<16384xf32, #tpu.memory_space<hbm>>
        %dma_wait3A_132 = arith.constant 16384 : i32
        %dma_wait3A_133 = tpu.memref_slice %arg5[%sub3A_126, %dma_wait3A_132] : memref<1024x65536xf32, #tpu.memory_space<hbm>> -> memref<1x16384xf32, #tpu.memory_space<hbm>>
        %dma_wait3A_134 = tpu.memref_squeeze %dma_wait3A_133 : memref<1x16384xf32, #tpu.memory_space<hbm>> -> memref<16384xf32, #tpu.memory_space<hbm>>
        %dma_wait3A_135 = arith.constant 16384 : i32
        %dma_wait3A_136 = tpu.memref_slice %arg8[%dma_wait3A_135] : memref<65536xf32, #tpu.memory_space<vmem>> -> memref<16384xf32, #tpu.memory_space<vmem>>
        tpu.wait_dma2 semaphore(%arg10 : memref<!tpu.dma_semaphore, #tpu.memory_space<semaphore_mem>>) src(%dma_wait3A_136 : memref<16384xf32, #tpu.memory_space<vmem>>) dst(%dma_wait3A_134 : memref<16384xf32, #tpu.memory_space<hbm>>)
        %sub3A_137 = arith.constant 1 : i32
        %sub3A_138 = arith.subi %add3A_56, %sub3A_137 : i32
        %dma_wait3A_139 = arith.constant 32768 : i32
        %dma_wait3A_140 = tpu.memref_slice %arg8[%dma_wait3A_139] : memref<65536xf32, #tpu.memory_space<vmem>> -> memref<16384xf32, #tpu.memory_space<vmem>>
        %dma_wait3A_141 = arith.constant 32768 : i32
        %dma_wait3A_142 = tpu.memref_slice %arg5[%sub3A_138, %dma_wait3A_141] : memref<1024x65536xf32, #tpu.memory_space<hbm>> -> memref<1x16384xf32, #tpu.memory_space<hbm>>
        %dma_wait3A_143 = tpu.memref_squeeze %dma_wait3A_142 : memref<1x16384xf32, #tpu.memory_space<hbm>> -> memref<16384xf32, #tpu.memory_space<hbm>>
        %dma_wait3A_144 = arith.constant 32768 : i32
        %dma_wait3A_145 = tpu.memref_slice %arg5[%sub3A_138, %dma_wait3A_144] : memref<1024x65536xf32, #tpu.memory_space<hbm>> -> memref<1x16384xf32, #tpu.memory_space<hbm>>
        %dma_wait3A_146 = tpu.memref_squeeze %dma_wait3A_145 : memref<1x16384xf32, #tpu.memory_space<hbm>> -> memref<16384xf32, #tpu.memory_space<hbm>>
        %dma_wait3A_147 = arith.constant 32768 : i32
        %dma_wait3A_148 = tpu.memref_slice %arg8[%dma_wait3A_147] : memref<65536xf32, #tpu.memory_space<vmem>> -> memref<16384xf32, #tpu.memory_space<vmem>>
        tpu.wait_dma2 semaphore(%arg10 : memref<!tpu.dma_semaphore, #tpu.memory_space<semaphore_mem>>) src(%dma_wait3A_148 : memref<16384xf32, #tpu.memory_space<vmem>>) dst(%dma_wait3A_146 : memref<16384xf32, #tpu.memory_space<hbm>>)
        %sub3A_149 = arith.constant 1 : i32
        %sub3A_150 = arith.subi %add3A_56, %sub3A_149 : i32
        %dma_wait3A_151 = arith.constant 49152 : i32
        %dma_wait3A_152 = tpu.memref_slice %arg8[%dma_wait3A_151] : memref<65536xf32, #tpu.memory_space<vmem>> -> memref<16384xf32, #tpu.memory_space<vmem>>
        %dma_wait3A_153 = arith.constant 49152 : i32
        %dma_wait3A_154 = tpu.memref_slice %arg5[%sub3A_150, %dma_wait3A_153] : memref<1024x65536xf32, #tpu.memory_space<hbm>> -> memref<1x16384xf32, #tpu.memory_space<hbm>>
        %dma_wait3A_155 = tpu.memref_squeeze %dma_wait3A_154 : memref<1x16384xf32, #tpu.memory_space<hbm>> -> memref<16384xf32, #tpu.memory_space<hbm>>
        %dma_wait3A_156 = arith.constant 49152 : i32
        %dma_wait3A_157 = tpu.memref_slice %arg5[%sub3A_150, %dma_wait3A_156] : memref<1024x65536xf32, #tpu.memory_space<hbm>> -> memref<1x16384xf32, #tpu.memory_space<hbm>>
        %dma_wait3A_158 = tpu.memref_squeeze %dma_wait3A_157 : memref<1x16384xf32, #tpu.memory_space<hbm>> -> memref<16384xf32, #tpu.memory_space<hbm>>
        %dma_wait3A_159 = arith.constant 49152 : i32
        %dma_wait3A_160 = tpu.memref_slice %arg8[%dma_wait3A_159] : memref<65536xf32, #tpu.memory_space<vmem>> -> memref<16384xf32, #tpu.memory_space<vmem>>
        tpu.wait_dma2 semaphore(%arg10 : memref<!tpu.dma_semaphore, #tpu.memory_space<semaphore_mem>>) src(%dma_wait3A_160 : memref<16384xf32, #tpu.memory_space<vmem>>) dst(%dma_wait3A_158 : memref<16384xf32, #tpu.memory_space<hbm>>)
      } else {
      }
      %parallel_loop3A = arith.constant 0 : i32
      %parallel_loop3A_65 = arith.constant 2040 : i32
      %parallel_loop3A_66 = arith.constant 1 : i32
      scf.for %parallel_loop3A_113 = %parallel_loop3A to %parallel_loop3A_65 step %parallel_loop3A_66  : i32 {
        %parallel_loop3A_114 = arith.constant 16 : i32
        %parallel_loop3A_115 = arith.muli %parallel_loop3A_113, %parallel_loop3A_114 : i32
        %parallel_loop3A_116 = arith.index_cast %parallel_loop3A_115 : i32 to index
        %parallel_loop3A_117 = tpu.vector_load %arg6[%parallel_loop3A_116] {strides = array<i32>} : memref<32640xf32, #tpu.memory_space<vmem>>, vector<16xf32>,
        %parallel_loop3A_118 = arith.constant 16 : i32
        %parallel_loop3A_119 = arith.muli %parallel_loop3A_113, %parallel_loop3A_118 : i32
        %parallel_loop3A_120 = arith.index_cast %parallel_loop3A_119 : i32 to index
        %parallel_loop3A_121 = tpu.vector_load %arg7[%parallel_loop3A_120] {strides = array<i32>} : memref<32640xi32, #tpu.memory_space<vmem>>, vector<16xi32>,
        tpu.vector_store_idx %arg8[%parallel_loop3A_121], %parallel_loop3A_117 : memref<65536xf32, #tpu.memory_space<vmem>>[vector<16xi32>], vector<16xf32>,
      } {sc.loop_unroll_factor = 8 : i64, sc.parallel_access}
      %dma_start3A_67 = arith.constant 0 : i32
      %dma_start3A_68 = tpu.memref_slice %arg8[%dma_start3A_67] : memref<65536xf32, #tpu.memory_space<vmem>> -> memref<16384xf32, #tpu.memory_space<vmem>>
      %dma_start3A_69 = arith.constant 0 : i32
      %dma_start3A_70 = tpu.memref_slice %arg5[%add3A_56, %dma_start3A_69] : memref<1024x65536xf32, #tpu.memory_space<hbm>> -> memref<1x16384xf32, #tpu.memory_space<hbm>>
      %dma_start3A_71 = tpu.memref_squeeze %dma_start3A_70 : memref<1x16384xf32, #tpu.memory_space<hbm>> -> memref<16384xf32, #tpu.memory_space<hbm>>
      %dma_start3A_72 = arith.constant 0 : i32
      %dma_start3A_73 = tpu.memref_slice %arg5[%add3A_56, %dma_start3A_72] : memref<1024x65536xf32, #tpu.memory_space<hbm>> -> memref<1x16384xf32, #tpu.memory_space<hbm>>
      %dma_start3A_74 = tpu.memref_squeeze %dma_start3A_73 : memref<1x16384xf32, #tpu.memory_space<hbm>> -> memref<16384xf32, #tpu.memory_space<hbm>>
      %dma_start3A_75 = arith.constant 0 : i32
      %dma_start3A_76 = tpu.memref_slice %arg8[%dma_start3A_75] : memref<65536xf32, #tpu.memory_space<vmem>> -> memref<16384xf32, #tpu.memory_space<vmem>>
      tpu.enqueue_dma source(%dma_start3A_76 : memref<16384xf32, #tpu.memory_space<vmem>>) target(%dma_start3A_74 : memref<16384xf32, #tpu.memory_space<hbm>>) target_semaphore(%arg10 : memref<!tpu.dma_semaphore, #tpu.memory_space<semaphore_mem>>)
      %dma_start3A_77 = arith.constant 16384 : i32
      %dma_start3A_78 = tpu.memref_slice %arg8[%dma_start3A_77] : memref<65536xf32, #tpu.memory_space<vmem>> -> memref<16384xf32, #tpu.memory_space<vmem>>
      %dma_start3A_79 = arith.constant 16384 : i32
      %dma_start3A_80 = tpu.memref_slice %arg5[%add3A_56, %dma_start3A_79] : memref<1024x65536xf32, #tpu.memory_space<hbm>> -> memref<1x16384xf32, #tpu.memory_space<hbm>>
      %dma_start3A_81 = tpu.memref_squeeze %dma_start3A_80 : memref<1x16384xf32, #tpu.memory_space<hbm>> -> memref<16384xf32, #tpu.memory_space<hbm>>
      %dma_start3A_82 = arith.constant 16384 : i32
      %dma_start3A_83 = tpu.memref_slice %arg5[%add3A_56, %dma_start3A_82] : memref<1024x65536xf32, #tpu.memory_space<hbm>> -> memref<1x16384xf32, #tpu.memory_space<hbm>>
      %dma_start3A_84 = tpu.memref_squeeze %dma_start3A_83 : memref<1x16384xf32, #tpu.memory_space<hbm>> -> memref<16384xf32, #tpu.memory_space<hbm>>
      %dma_start3A_85 = arith.constant 16384 : i32
      %dma_start3A_86 = tpu.memref_slice %arg8[%dma_start3A_85] : memref<65536xf32, #tpu.memory_space<vmem>> -> memref<16384xf32, #tpu.memory_space<vmem>>
      tpu.enqueue_dma source(%dma_start3A_86 : memref<16384xf32, #tpu.memory_space<vmem>>) target(%dma_start3A_84 : memref<16384xf32, #tpu.memory_space<hbm>>) target_semaphore(%arg10 : memref<!tpu.dma_semaphore, #tpu.memory_space<semaphore_mem>>)
      %dma_start3A_87 = arith.constant 32768 : i32
      %dma_start3A_88 = tpu.memref_slice %arg8[%dma_start3A_87] : memref<65536xf32, #tpu.memory_space<vmem>> -> memref<16384xf32, #tpu.memory_space<vmem>>
      %dma_start3A_89 = arith.constant 32768 : i32
      %dma_start3A_90 = tpu.memref_slice %arg5[%add3A_56, %dma_start3A_89] : memref<1024x65536xf32, #tpu.memory_space<hbm>> -> memref<1x16384xf32, #tpu.memory_space<hbm>>
      %dma_start3A_91 = tpu.memref_squeeze %dma_start3A_90 : memref<1x16384xf32, #tpu.memory_space<hbm>> -> memref<16384xf32, #tpu.memory_space<hbm>>
      %dma_start3A_92 = arith.constant 32768 : i32
      %dma_start3A_93 = tpu.memref_slice %arg5[%add3A_56, %dma_start3A_92] : memref<1024x65536xf32, #tpu.memory_space<hbm>> -> memref<1x16384xf32, #tpu.memory_space<hbm>>
      %dma_start3A_94 = tpu.memref_squeeze %dma_start3A_93 : memref<1x16384xf32, #tpu.memory_space<hbm>> -> memref<16384xf32, #tpu.memory_space<hbm>>
      %dma_start3A_95 = arith.constant 32768 : i32
      %dma_start3A_96 = tpu.memref_slice %arg8[%dma_start3A_95] : memref<65536xf32, #tpu.memory_space<vmem>> -> memref<16384xf32, #tpu.memory_space<vmem>>
      tpu.enqueue_dma source(%dma_start3A_96 : memref<16384xf32, #tpu.memory_space<vmem>>) target(%dma_start3A_94 : memref<16384xf32, #tpu.memory_space<hbm>>) target_semaphore(%arg10 : memref<!tpu.dma_semaphore, #tpu.memory_space<semaphore_mem>>)
      %dma_start3A_97 = arith.constant 49152 : i32
      %dma_start3A_98 = tpu.memref_slice %arg8[%dma_start3A_97] : memref<65536xf32, #tpu.memory_space<vmem>> -> memref<16384xf32, #tpu.memory_space<vmem>>
      %dma_start3A_99 = arith.constant 49152 : i32
      %dma_start3A_100 = tpu.memref_slice %arg5[%add3A_56, %dma_start3A_99] : memref<1024x65536xf32, #tpu.memory_space<hbm>> -> memref<1x16384xf32, #tpu.memory_space<hbm>>
      %dma_start3A_101 = tpu.memref_squeeze %dma_start3A_100 : memref<1x16384xf32, #tpu.memory_space<hbm>> -> memref<16384xf32, #tpu.memory_space<hbm>>
      %dma_start3A_102 = arith.constant 49152 : i32
      %dma_start3A_103 = tpu.memref_slice %arg5[%add3A_56, %dma_start3A_102] : memref<1024x65536xf32, #tpu.memory_space<hbm>> -> memref<1x16384xf32, #tpu.memory_space<hbm>>
      %dma_start3A_104 = tpu.memref_squeeze %dma_start3A_103 : memref<1x16384xf32, #tpu.memory_space<hbm>> -> memref<16384xf32, #tpu.memory_space<hbm>>
      %dma_start3A_105 = arith.constant 49152 : i32
      %dma_start3A_106 = tpu.memref_slice %arg8[%dma_start3A_105] : memref<65536xf32, #tpu.memory_space<vmem>> -> memref<16384xf32, #tpu.memory_space<vmem>>
      tpu.enqueue_dma source(%dma_start3A_106 : memref<16384xf32, #tpu.memory_space<vmem>>) target(%dma_start3A_104 : memref<16384xf32, #tpu.memory_space<hbm>>) target_semaphore(%arg10 : memref<!tpu.dma_semaphore, #tpu.memory_space<semaphore_mem>>)
      %add3A_107 = arith.constant 1 : i32
      %add3A_108 = arith.addi %scan3A_55, %add3A_107 : i32
      %lt3A = arith.constant 32 : i32
      %lt3A_109 = arith.cmpi slt, %add3A_108, %lt3A : i32
      %convert_element_type3A_110 = arith.extui %lt3A_109 : i1 to i32
      %cond3A_111 = arith.constant 0 : i32
      %cond3A_112 = arith.cmpi ne, %convert_element_type3A_110, %cond3A_111 : i32
      scf.if %cond3A_112 {
        %add3A_113 = arith.constant 1 : i32
        %add3A_114 = arith.addi %add3A_56, %add3A_113 : i32
        %dma_start3A_115 = arith.constant 0 : i32
        %dma_start3A_116 = tpu.memref_slice %arg2[%add3A_114, %dma_start3A_115] : memref<1024x32640xf32, #tpu.memory_space<hbm>> -> memref<1x32640xf32, #tpu.memory_space<hbm>>
        %dma_start3A_117 = tpu.memref_squeeze %dma_start3A_116 : memref<1x32640xf32, #tpu.memory_space<hbm>> -> memref<32640xf32, #tpu.memory_space<hbm>>
        %dma_start3A_118 = arith.constant 0 : i32
        %dma_start3A_119 = tpu.memref_slice %arg2[%add3A_114, %dma_start3A_118] : memref<1024x32640xf32, #tpu.memory_space<hbm>> -> memref<1x32640xf32, #tpu.memory_space<hbm>>
        %dma_start3A_120 = tpu.memref_squeeze %dma_start3A_119 : memref<1x32640xf32, #tpu.memory_space<hbm>> -> memref<32640xf32, #tpu.memory_space<hbm>>
        tpu.enqueue_dma source(%dma_start3A_120 : memref<32640xf32, #tpu.memory_space<hbm>>) target(%arg6 : memref<32640xf32, #tpu.memory_space<vmem>>) target_semaphore(%arg9 : memref<!tpu.dma_semaphore, #tpu.memory_space<semaphore_mem>>)
      } else {
      }
    }
    %scan3A_12 = arith.constant 32 : i32
    %add3A_13 = arith.constant 32 : i32
    %add3A_14 = arith.addi %mul3A_2, %add3A_13 : i32
    %sub3A = arith.constant 1 : i32
    %sub3A_15 = arith.subi %add3A_14, %sub3A : i32
    %dma_wait3A = arith.constant 0 : i32
    %dma_wait3A_16 = tpu.memref_slice %arg8[%dma_wait3A] : memref<65536xf32, #tpu.memory_space<vmem>> -> memref<16384xf32, #tpu.memory_space<vmem>>
    %dma_wait3A_17 = arith.constant 0 : i32
    %dma_wait3A_18 = tpu.memref_slice %arg5[%sub3A_15, %dma_wait3A_17] : memref<1024x65536xf32, #tpu.memory_space<hbm>> -> memref<1x16384xf32, #tpu.memory_space<hbm>>
    %dma_wait3A_19 = tpu.memref_squeeze %dma_wait3A_18 : memref<1x16384xf32, #tpu.memory_space<hbm>> -> memref<16384xf32, #tpu.memory_space<hbm>>
    %dma_wait3A_20 = arith.constant 0 : i32
    %dma_wait3A_21 = tpu.memref_slice %arg5[%sub3A_15, %dma_wait3A_20] : memref<1024x65536xf32, #tpu.memory_space<hbm>> -> memref<1x16384xf32, #tpu.memory_space<hbm>>
    %dma_wait3A_22 = tpu.memref_squeeze %dma_wait3A_21 : memref<1x16384xf32, #tpu.memory_space<hbm>> -> memref<16384xf32, #tpu.memory_space<hbm>>
    %dma_wait3A_23 = arith.constant 0 : i32
    %dma_wait3A_24 = tpu.memref_slice %arg8[%dma_wait3A_23] : memref<65536xf32, #tpu.memory_space<vmem>> -> memref<16384xf32, #tpu.memory_space<vmem>>
    tpu.wait_dma2 semaphore(%arg10 : memref<!tpu.dma_semaphore, #tpu.memory_space<semaphore_mem>>) src(%dma_wait3A_24 : memref<16384xf32, #tpu.memory_space<vmem>>) dst(%dma_wait3A_22 : memref<16384xf32, #tpu.memory_space<hbm>>)
    %dma_wait3A_25 = arith.constant 16384 : i32
    %dma_wait3A_26 = tpu.memref_slice %arg8[%dma_wait3A_25] : memref<65536xf32, #tpu.memory_space<vmem>> -> memref<16384xf32, #tpu.memory_space<vmem>>
    %dma_wait3A_27 = arith.constant 16384 : i32
    %dma_wait3A_28 = tpu.memref_slice %arg5[%sub3A_15, %dma_wait3A_27] : memref<1024x65536xf32, #tpu.memory_space<hbm>> -> memref<1x16384xf32, #tpu.memory_space<hbm>>
    %dma_wait3A_29 = tpu.memref_squeeze %dma_wait3A_28 : memref<1x16384xf32, #tpu.memory_space<hbm>> -> memref<16384xf32, #tpu.memory_space<hbm>>
    %dma_wait3A_30 = arith.constant 16384 : i32
    %dma_wait3A_31 = tpu.memref_slice %arg5[%sub3A_15, %dma_wait3A_30] : memref<1024x65536xf32, #tpu.memory_space<hbm>> -> memref<1x16384xf32, #tpu.memory_space<hbm>>
    %dma_wait3A_32 = tpu.memref_squeeze %dma_wait3A_31 : memref<1x16384xf32, #tpu.memory_space<hbm>> -> memref<16384xf32, #tpu.memory_space<hbm>>
    %dma_wait3A_33 = arith.constant 16384 : i32
    %dma_wait3A_34 = tpu.memref_slice %arg8[%dma_wait3A_33] : memref<65536xf32, #tpu.memory_space<vmem>> -> memref<16384xf32, #tpu.memory_space<vmem>>
    tpu.wait_dma2 semaphore(%arg10 : memref<!tpu.dma_semaphore, #tpu.memory_space<semaphore_mem>>) src(%dma_wait3A_34 : memref<16384xf32, #tpu.memory_space<vmem>>) dst(%dma_wait3A_32 : memref<16384xf32, #tpu.memory_space<hbm>>)
    %dma_wait3A_35 = arith.constant 32768 : i32
    %dma_wait3A_36 = tpu.memref_slice %arg8[%dma_wait3A_35] : memref<65536xf32, #tpu.memory_space<vmem>> -> memref<16384xf32, #tpu.memory_space<vmem>>
    %dma_wait3A_37 = arith.constant 32768 : i32
    %dma_wait3A_38 = tpu.memref_slice %arg5[%sub3A_15, %dma_wait3A_37] : memref<1024x65536xf32, #tpu.memory_space<hbm>> -> memref<1x16384xf32, #tpu.memory_space<hbm>>
    %dma_wait3A_39 = tpu.memref_squeeze %dma_wait3A_38 : memref<1x16384xf32, #tpu.memory_space<hbm>> -> memref<16384xf32, #tpu.memory_space<hbm>>
    %dma_wait3A_40 = arith.constant 32768 : i32
    %dma_wait3A_41 = tpu.memref_slice %arg5[%sub3A_15, %dma_wait3A_40] : memref<1024x65536xf32, #tpu.memory_space<hbm>> -> memref<1x16384xf32, #tpu.memory_space<hbm>>
    %dma_wait3A_42 = tpu.memref_squeeze %dma_wait3A_41 : memref<1x16384xf32, #tpu.memory_space<hbm>> -> memref<16384xf32, #tpu.memory_space<hbm>>
    %dma_wait3A_43 = arith.constant 32768 : i32
    %dma_wait3A_44 = tpu.memref_slice %arg8[%dma_wait3A_43] : memref<65536xf32, #tpu.memory_space<vmem>> -> memref<16384xf32, #tpu.memory_space<vmem>>
    tpu.wait_dma2 semaphore(%arg10 : memref<!tpu.dma_semaphore, #tpu.memory_space<semaphore_mem>>) src(%dma_wait3A_44 : memref<16384xf32, #tpu.memory_space<vmem>>) dst(%dma_wait3A_42 : memref<16384xf32, #tpu.memory_space<hbm>>)
    %dma_wait3A_45 = arith.constant 49152 : i32
    %dma_wait3A_46 = tpu.memref_slice %arg8[%dma_wait3A_45] : memref<65536xf32, #tpu.memory_space<vmem>> -> memref<16384xf32, #tpu.memory_space<vmem>>
    %dma_wait3A_47 = arith.constant 49152 : i32
    %dma_wait3A_48 = tpu.memref_slice %arg5[%sub3A_15, %dma_wait3A_47] : memref<1024x65536xf32, #tpu.memory_space<hbm>> -> memref<1x16384xf32, #tpu.memory_space<hbm>>
    %dma_wait3A_49 = tpu.memref_squeeze %dma_wait3A_48 : memref<1x16384xf32, #tpu.memory_space<hbm>> -> memref<16384xf32, #tpu.memory_space<hbm>>
    %dma_wait3A_50 = arith.constant 49152 : i32
    %dma_wait3A_51 = tpu.memref_slice %arg5[%sub3A_15, %dma_wait3A_50] : memref<1024x65536xf32, #tpu.memory_space<hbm>> -> memref<1x16384xf32, #tpu.memory_space<hbm>>
    %dma_wait3A_52 = tpu.memref_squeeze %dma_wait3A_51 : memref<1x16384xf32, #tpu.memory_space<hbm>> -> memref<16384xf32, #tpu.memory_space<hbm>>
    %dma_wait3A_53 = arith.constant 49152 : i32
    %dma_wait3A_54 = tpu.memref_slice %arg8[%dma_wait3A_53] : memref<65536xf32, #tpu.memory_space<vmem>> -> memref<16384xf32, #tpu.memory_space<vmem>>
    tpu.wait_dma2 semaphore(%arg10 : memref<!tpu.dma_semaphore, #tpu.memory_space<semaphore_mem>>) src(%dma_wait3A_54 : memref<16384xf32, #tpu.memory_space<vmem>>) dst(%dma_wait3A_52 : memref<16384xf32, #tpu.memory_space<hbm>>)
    return
  }
}

</mosaic_0001>

<sc_bundles>
// kernel: kernel.3.cloned.1.call-start
scs
__scs_entry_jumppad:
0x0: {  	(pc) =	sbr.rel $0x88, $3  }
0x1: {  	(tag) =	ssettag $0x0;
	lr =	simm.s32 $0x1  }
0x2: {  	[smem:$0x3F9F] =	sst lr;
	_ =	strace $0xD0000000  }
0x3: {  	_ = 	snop  }
0x4: {  	_ = 	snop  }
0x5: {  	_ = 	snop  }
0x6: {  	_ = 	snop  }
0x7: {  	_ = 	snop  }
__scs_overlays_trampoline_lowered:
0x8: {  	[smem:$0x3FAE] =	sst s0  }
0x9: {  	[smem:$0x3FAF] =	sst s1  }
0xa: {  	[smem:$0x3FB0] =	sst s2  }
0xb: {  	[smem:$0x3FB1] =	sst s3  }
0xc: {  	[smem:$0x3FB2] =	sst s4  }
0xd: {  	[smem:$0x3FB3] =	sst s5  }
0xe: {  	[smem:$0x3FB4] =	sst s6  }
0xf: {  	[smem:$0x3FB5] =	sst s7  }
0x10: {  	[smem:$0x3FB6] =	sst s8  }
0x11: {  	[smem:$0x3FB7] =	sst s9;
	s0 =	simm.s32 @!p0 $0x0  }
0x12: {  	s1 =	sld [smem:$0x3F9D];
	s0 =	simm.s32 @p0 $0x1  }
0x13: {  	[smem:$0x3FB8] =	sst s0;
	s0 =	simm.s32 @!p1 $0x0  }
0x14: {  	s2 =	sld [smem:$0x3F9C];
	s0 =	simm.s32 @p1 $0x1  }
0x15: {  	[smem:$0x3FB9] =	sst s0;
	s0 =	simm.s32 @!p2 $0x0  }
0x16: {  	s3 =	sld [smem:$0x3FDB];
	s0 =	simm.s32 @p2 $0x1  }
0x17: {  	s4 =	simm.s32 $0x1BF5;
	[smem:$0x3FBB] =	sst s0  }
0x18: {  	s0 =	sld [smem:$0x3F9E];
	_ =	swait.ge [sflag:s4], $0x0  }
0x19: {  	s7 =	sld [smem:$0x3F9F]  }
0x1a: {  	s8 =	sadd.s32 $0xFFFFE003, lr  }
0x1b: {  	s9 =	sadd.s32 $0xFFFFFEF7, lr;
	s5 =	simm.s32 $0xFFFFFFFF;
	p2 =	slt.u32 s8, $0xFFFFF086  }
0x1c: {  	p1 =	slt.u32 s9, $0xF7A;
	s5 =	simm.s32 @!p2 $0x0  }
0x1d: {  	s5 =	simm.s32 @p1 $0x1;
	p0 =	seq.s32 s7, s2  }
0x1e: {  	s7 =	smul.u32 @!p0 $0xF7A, s2;
	p2 =	seq.s32 @!p0 s5, $0x0  }
0x1f: {  	s9 =	smul.u32 $0xF7A, s1;
	s8 =	simm.s32 @!p0 $0x1BF5;
	p2 =	por !p2, p0  }
0x20: {  	[sflag:s8] =	ssyncset.s32 @!p0 $0xFFFFF086;
	s6 =	sadd.s32 @!p0 s3, s7;
	s7 =	simm.s32 @!p0 $0x108  }
0x21: {  	s3 =	sadd.s32 s3, s9;
	s6 =	sadd.s32 @!p0 $0x88, s6;
	s7 =	simm.s32 @p2 $0x1082  }
0x22: {  	[simem:s7], [sflag:s8] =	dma.local @!p0 [hbm:s6], $0xF7A  }
0x23: {  	s9 =	sor.u32 $0xD0000000, s2;
	s6 =	simm.s32 $0x108;
	_ =	swait.ge @!p0 [sflag:s8], $0x0  }
0x24: {  	s3 =	sadd.s32 $0x88, s3;
	s6 =	simm.s32 @!p1 $0x1082;
	[sflag:s4] =	ssyncset.s32 $0xFFFFF086  }
0x25: {  	[simem:s6], [sflag:s4] =	dma.local [hbm:s3], $0xF7A  }
0x26: {  	[smem:$0x3F9F] =	sst s1;
	(tag) =	ssettag s2;
	_ =	strace s9  }
0x27: {  	s1 =	sld [smem:$0x3FAF]  }
0x28: {  	s2 =	sld [smem:$0x3FB0]  }
0x29: {  	s4 =	sld [smem:$0x3FB2]  }
0x2a: {  	p0 =	seq.s32 s5, $0x0;
	s5 =	sld [smem:$0x3FB3]  }
0x2b: {  	s6 =	sld [smem:$0x3FB4]  }
0x2c: {  	s7 =	sld [smem:$0x3FB5]  }
0x2d: {  	s3 =	simm.s32 $0x108;
	s8 =	sld [smem:$0x3FB6]  }
0x2e: {  	s3 =	simm.s32 @!p0 $0x1082;
	s9 =	sld [smem:$0x3FB7]  }
0x2f: {  	lr =	sadd.s32 s0, s3;
	s0 =	sld [smem:$0x3FAE]  }
0x30: {  	s3 =	sld [smem:$0x3FB1]  }
0x31: {  	[smem:$0x3FBA] =	sst s10  }
0x32: {  	s10 =	sld [smem:$0x3FB8];
	_ =	sdelay $0x3  }
0x33: {  	p0 =	seq.s32 s10, $0x1;
	s10 =	sld [smem:$0x3FBA];
	_ =	sdelay $0x3  }
0x34: {  	[smem:$0x3FBA] =	sst s10  }
0x35: {  	s10 =	sld [smem:$0x3FB9];
	_ =	sdelay $0x3  }
0x36: {  	p1 =	seq.s32 s10, $0x1;
	s10 =	sld [smem:$0x3FBA];
	_ =	sdelay $0x3  }
0x37: {  	[smem:$0x3FBA] =	sst s10  }
0x38: {  	s10 =	sld [smem:$0x3FBB]  }
0x39: {  	_ = 	snop;
	(pc) =	sbr.ind lr, $3  }
0x3a: {  	_ = 	snop  }
0x3b: {  	_ = 	snop  }
0x3c: {  	p2 =	seq.s32 s10, $0x1;
	s10 =	sld [smem:$0x3FBA]  }
0x3d: {  	_ =	shalt  }
0x3e: {  	_ =	shalt  }
0x3f: {  	_ =	shalt  }
0x40: {  	_ =	shalt  }
0x41: {  	_ =	shalt  }
0x42: {  	_ =	shalt  }
0x43: {  	_ =	shalt  }
0x44: {  	_ =	shalt  }
0x45: {  	_ =	shalt  }
0x46: {  	_ =	shalt  }
0x47: {  	_ =	shalt  }
0x48: {  	_ =	shalt  }
0x49: {  	_ =	shalt  }
0x4a: {  	_ =	shalt  }
0x4b: {  	_ =	shalt  }
0x4c: {  	_ =	shalt  }
0x4d: {  	_ =	shalt  }
0x4e: {  	_ =	shalt  }
0x4f: {  	_ =	shalt  }
0x50: {  	_ =	shalt  }
0x51: {  	_ =	shalt  }
0x52: {  	_ =	shalt  }
0x53: {  	_ =	shalt  }
0x54: {  	_ =	shalt  }
0x55: {  	_ =	shalt  }
0x56: {  	_ =	shalt  }
0x57: {  	_ =	shalt  }
0x58: {  	_ =	shalt  }
0x59: {  	_ =	shalt  }
0x5a: {  	_ =	shalt  }
0x5b: {  	_ =	shalt  }
0x5c: {  	_ =	shalt  }
0x5d: {  	_ =	shalt  }
0x5e: {  	_ =	shalt  }
0x5f: {  	_ =	shalt  }
0x60: {  	_ =	shalt  }
0x61: {  	_ =	shalt  }
0x62: {  	_ =	shalt  }
0x63: {  	_ =	shalt  }
0x64: {  	_ =	shalt  }
0x65: {  	_ =	shalt  }
0x66: {  	_ =	shalt  }
0x67: {  	_ =	shalt  }
0x68: {  	_ =	shalt  }
0x69: {  	_ =	shalt  }
0x6a: {  	_ =	shalt  }
0x6b: {  	_ =	shalt  }
0x6c: {  	_ =	shalt  }
0x6d: {  	_ =	shalt  }
0x6e: {  	_ =	shalt  }
0x6f: {  	_ =	shalt  }
0x70: {  	_ =	shalt  }
0x71: {  	_ =	shalt  }
0x72: {  	_ =	shalt  }
0x73: {  	_ =	shalt  }
0x74: {  	_ =	shalt  }
0x75: {  	_ =	shalt  }
0x76: {  	_ =	shalt  }
0x77: {  	_ =	shalt  }
0x78: {  	_ =	shalt  }
0x79: {  	_ =	shalt  }
0x7a: {  	_ =	shalt  }
0x7b: {  	_ =	shalt  }
0x7c: {  	_ =	shalt  }
0x7d: {  	_ =	shalt  }
0x7e: {  	_ =	shalt  }
0x7f: {  	_ =	shalt  }
0x80: {  	_ =	shalt  }
0x81: {  	_ =	shalt  }
0x82: {  	_ =	shalt  }
0x83: {  	_ =	shalt  }
0x84: {  	_ =	shalt  }
0x85: {  	_ =	shalt  }
0x86: {  	_ =	shalt  }
0x87: {  	_ =	shalt  }
.Lfunc_end0:
.L_simem_size_0:
called_computation.1_lowered:
.L_overlay_start_0:
0x88: {  	s2 =	sld [smem:$0x3FD9]  }
0x89: {  	s3 =	sld [smem:$0x3FFE];
	_ =	sdelay $0x1  }
0x8a: {  	s1 =	srdreg.scid  }
0x8b: {  	s0 =	sand.u32 $0x1, s1  }
0x8c: {  	s17 =	sshll.u32 s0, $0xA;
	s2 =	sadd.s32 s3, s2  }
0x8d: {  	s2 =	sadd.s32 s2, s17  }
0x8e: {  	[smem:$0x3FC6] =	sst s2  }
0x8f: {  	_ = 	snop  }
0x90: {  	s2 =	sld [smem:$0x3FC9]  }
0x91: {  	s18 =	sld [smem:$0x3FD0];
	(tm) =	ssettm $0x1  }
0x92: {  	s4 =	sld [smem:$0x3FFB];
	_ =	sdelay $0x3  }
0x93: {  	_ =	strace s4  }
0x94: {  	s4 =	sld [smem:$0x3FFC];
	_ =	sdelay $0x3  }
0x95: {  	_ =	strace s4  }
0x96: {  	s4 =	sld [smem:$0x3FFD];
	_ =	sdelay $0x3  }
0x97: {  	_ =	strace s4  }
0x98: {  	_ =	strace $0x8FFFFFFF  }
0x99: {  	s19 =	sld [smem:$0x3FDB];
	_ =	sdelay $0x1  }
0x9a: {  	s5 =	simm.s32 $_scs_section_size  }
0x9b: {  	s6 =	simm.s32 $_size__tile_overlayer_lowered;
	s7 =	simm.s32 $_tile_overlayer_lowered  }
0x9c: {  	s22 =	simm.s32 $0x1BFF;
	s21 =	sshll.u32 s7, $0x1;
	s4 =	sadd.s32 s5, s19  }
0x9d: {  	s8 =	simm.s32 $0x0;
	s20 =	sshll.u32 s6, $0x1;
	s6 =	sadd.s32 s21, s4  }
0x9e: {  	[timem:s8], [sflag:s22] =	dma.local [hbm:s6], s20  }
0x9f: {  	_ =	swait.ge [sflag:s22], s20  }
0xa0: {  	s5 =	ssub.s32 $0x0, s20;
	[sflag:s22] =	ssyncset.done $0x0  }
0xa1: {  	[sflag:s22] =	ssyncadd.s32 s5;
	_ =	sdelay $0x1  }
0xa2: {  	s23 =	simm.s32 $0x1B8B  }
0xa3: {  	_ =	swait.ge [sflag:s23], $0x1  }
0xa4: {  	[sflag:s23] =	ssyncset.done $0x0  }
0xa5: {  	s25 =	simm.s32 $0x1B8E;
	s24 =	sld [smem:$0x3FFE];
	[sflag:s23] =	ssyncadd.s32 $0xFFFFFFFF  }
0xa6: {  	s26 =	simm.s32 $execute0_lowered;
	[smem:$0x3FD2] =	sst s25  }
0xa7: {  	s6 =	sshll.u32 s26, $0x1;
	_ =	strace $0x80000046;
	[dreg:$0x1] =	wrdreg $0xFFFFFFFF  }
0xa8: {  	s28 =	simm.s32 $_size_execute0_lowered;
	s4 =	sadd.s32 s4, s6;
	[dreg:$0x0] =	wrdreg $0x0  }
0xa9: {  	s6 =	sshll.u32 s28, $0x1;
	[dreg:$0x2] =	wrdreg s4  }
0xaa: {  	[dreg:$0x3] =	wrdreg s6  }
0xab: {  	[dreg:$0x4] =	wrdreg $0xC0  }
0xac: {  	_ =	task [dreg:s8], $0x5FFFF  }
0xad: {  	[dreg:$0x1] =	wrdreg $0xFFFFFFFF  }
0xae: {  	[dreg:$0x0] =	wrdreg $0x60  }
0xaf: {  	[dreg:$0x2] =	wrdreg s2  }
0xb0: {  	[dreg:$0x3] =	wrdreg s18  }
0xb1: {  	[dreg:$0x4] =	wrdreg s24  }
0xb2: {  	[dreg:$0x5] =	wrdreg $0x9  }
0xb3: {  	_ =	task.clear_ibuf [dreg:s8], $0x6FFFF;
	_ =	strace $0x90000046  }
0xb4: {  	s29 =	simm.s32 $0x9;
	_ =	strace $0x80000048  }
0xb5: {  	_ =	swait.ge [sflag:s29], $0x1  }
0xb6: {  	[sflag:s29] =	ssyncadd.s32 $0xFFFFFFFF  }
0xb7: {  	_ =	strace $0x90000048  }
0xb8: {  	_ =	sfence  }
0xb9: {  	s30 =	sld [smem:$0x0];
	_ =	sdelay $0x2  }
0xba: {  	s31 =	sshll.u32 s1, $0xD;
	s1 =	sshrl.u32 s1, $0x2  }
0xbb: {  	s3 =	sand.u32 $0x4000, s31;
	s1 =	sadd.s32 s1, s30  }
0xbc: {  	s0 =	sor.u32 s3, s0;
	s1 =	sshll.u32 s1, $0x11  }
0xbd: {  	s0 =	sor.u32 s1, s0  }
0xbe: {  	s0 =	sadd.s32 $0x8F2B, s0  }
0xbf: {  	[sflag:s0] =	ssyncadd.remote.s32 $0x1  }
0xc0: {  	_ =	sfence.sel $0xFFFF  }
0xc1: {  	[dreg:$0x0] =	wrdreg $0xFFFFFFFF;
	(pc) =	sbr.abs _section_cstart, $3  }
0xc2: {  	[dreg:$0x1] =	wrdreg $0xFFFFFFFF  }
0xc3: {  	_ =	task.clear_ibuf [dreg:s8], $0x2FFFF;
	_ =	strace $0x9FFFFFFF  }
0xc4: {  	(tm) =	ssettm $0x7FFFFFFF  }
0xc5: {  	_ =	shalt  }
tec
execute0_lowered:
.L_overlay_start_1:
0x0: {  	(tag) =	ssettag $0x1  }
0x1: {  	s1 =	rddreg [dreg:$0x0]  }
0x2: {  	s2 =	srdreg.scid;
	s3 =	rddreg [dreg:$0x1]  }
0x3: {  	s0 =	stileid.u32;
	s11 =	rddreg [dreg:$0x2];
	s5 =	simm.s32 $0x0  }
0x4: {  	s13 =	simm.s32 $0x7F80;
	s14 =	simm.s32 $0x3;
	s15 =	simm.s32 $0xFF00  }
0x5: {  	s16 =	simm.s32 $0x80;
	s17 =	simm.s32 $0x400;
	s18 =	simm.s32 $0x1  }
0x6: {  	s19 =	simm.s32 $0x13F00;
	s20 =	simm.s32 $0x17F00;
	s21 =	simm.s32 $0x1BF00  }
0x7: {  	s22 =	simm.s32 $0x2;
	s23 =	simm.s32 $0x0;
	s6 =	sand.u32 $0x1, s2  }
0x8: {  	s31 =	sshll.u32 s0, $0x6;
	s2 =	rddreg [dreg:$0x3];
	s4 =	sshll.u32 s6, $0x5  }
0x9: {  	[smem:$0x7FF] =	sst s5;
	s8 =	ssub.s32 $0x2, s6;
	s4 =	sor.u32 s4, s31  }
0xa: {  	_ =	strace $0x80000047;
	s10 =	sshrl.u32 s8, $0x1;
	s7 =	sshrl.u32 s4, $0x3  }
0xb: {  	s6 =	sadd.s32 $0x800, s11;
	s12 =	ssub.s32 s8, s10;
	s9 =	smul.u32 $0x7F80, s7  }
0xc: {  	s10 =	sadd.s32 $0x9800, s11;
	s7 =	sadd.s32 $0x1800, s11;
	s12 =	smax.u32 s12, $0x1  }
0xd: {  	s8 =	sadd.s32 s1, s9;
	s9 =	sadd.s32 $0x5800, s11;
	s11 =	sadd.s32 $0xD800, s11  }
.LBB2_1:
0xe: {  	[tilespmem:s13], [sflag:$0x3] =	stream.linear.gather [hbm4b:s6+s5], $0x7F80, $0x38;
	[tilespmem:$0x1FF00] =	vst v63  }
0xf: {  	_ =	swait.ge [sflag:s14], $0x7F80  }
0x10: {  	[sflag:s14] =	ssyncset.done $0x0  }
0x11: {  	[sflag:s14] =	ssyncadd.s32 $0xFFFF8080  }
0x12: {  	[tilespmem:s15], [sflag:$0x3] =	stream.linear.gather [hbm4b:s3+s5], $0x10000, $0x38;
	[tilespmem:$0x1FF00] =	vst v63  }
0x13: {  	_ =	swait.ge [sflag:s14], $0x10000  }
0x14: {  	[sflag:s14] =	ssyncset.done $0x0  }
0x15: {  	s24 =	simm.s32 $0x0;
	[sflag:s14] =	ssyncadd.s32 $0xFFFF0000  }
0x16: {  	[tilespmem:s5], [sflag:$0x1] =	stream.strided.gather [hbm4b:s8+s16], $0x7F80, s17, s16, $0x38;
	[tilespmem:$0x1FF00] =	vst v63  }
.LBB2_2:
0x17: {  	_ =	swait.ge [sflag:s18], $0x7F80  }
0x18: {  	p0 =	seq.s32 s24, $0x0;
	[sflag:s18] =	ssyncset.done $0x0  }
0x19: {  	s25 =	simm.s32 @!p0 $0x2;
	[sflag:s18] =	ssyncadd.s32 $0xFFFF8080  }
0x1a: {  	_ =	swait.ge @!p0 [sflag:s25], $0x4000  }
0x1b: {  	[sflag:s25] =	ssyncset.done @!p0 $0x0  }
0x1c: {  	[sflag:s25] =	ssyncadd.s32 @!p0 $0xFFFFC000  }
0x1d: {  	_ =	swait.ge @!p0 [sflag:s25], $0x4000  }
0x1e: {  	[sflag:s25] =	ssyncset.done @!p0 $0x0  }
0x1f: {  	[sflag:s25] =	ssyncadd.s32 @!p0 $0xFFFFC000  }
0x20: {  	_ =	swait.ge @!p0 [sflag:s25], $0x4000  }
0x21: {  	[sflag:s25] =	ssyncset.done @!p0 $0x0  }
0x22: {  	[sflag:s25] =	ssyncadd.s32 @!p0 $0xFFFFC000  }
0x23: {  	_ =	swait.ge @!p0 [sflag:s25], $0x4000  }
0x24: {  	[sflag:s25] =	ssyncset.done @!p0 $0x0  }
0x25: {  	s31 =	simm.s32 $0x7FC0;
	[sflag:s25] =	ssyncadd.s32 @!p0 $0xFFFFC000  }
0x26: {  	v5 =	vld [tilespmem:s31+$0x30]  }
0x27: {  	v0 =	vld [tilespmem:s31+$0xFFFFFFC0]  }
0x28: {  	s26 =	simm.s32 $0x40;
	v7 =	vld [tilespmem:s31+$0xFFFFFFD0]  }
0x29: {  	v8 =	vld [tilespmem:s26+$0x30]  }
0x2a: {  	v10 =	vld [tilespmem:s31+$0xFFFFFFE0]  }
0x2b: {  	v4 =	vld [tilespmem:s31+$0xFFFFFFF0]  }
0x2c: {  	v3 =	vld [tilespmem:s31+$0x0]  }
0x2d: {  	v2 =	vld [tilespmem:s31+$0x10]  }
0x2e: {  	v1 =	vld [tilespmem:s31+$0x20]  }
0x2f: {  	v11 =	vld [tilespmem:s26+$0xFFFFFFD0]  }
0x30: {  	v12 =	vld [tilespmem:s26+$0xFFFFFFE0]  }
0x31: {  	v9 =	vld [tilespmem:s26+$0xFFFFFFF0]  }
0x32: {  	v6 =	vld [tilespmem:s26+$0x0]  }
0x33: {  	[tilespmem:v5+s15+$0x0] =	vst.idx.msk $0xffff, v8;
	v5 =	vld [tilespmem:s26+$0x10]  }
0x34: {  	s28 =	sshll.u32 s24, $0x4;
	s29 =	simm.s32 $0x0;
	[tilespmem:v7+s15+$0x0] =	vst.idx.msk $0xffff, v11;
	v7 =	vld [tilespmem:s26+$0x20]  }
0x35: {  	s30 =	simm.s32 $0x8040;
	s28 =	sand.u32 $0x70, s28;
	s25 =	sor.u32 s4, s24;
	v8 =	vld [tilespmem:s26+$0xFFFFFFC0];
	[tilespmem:v10+s15+$0x0] =	vst.idx.msk $0xffff, v12  }
.LBB2_3:
0x36: {  	v10 =	vld [tilespmem:s30+$0x30];
	s29 =	sadd.s32 $0x8, s29;
	[tilespmem:v4+s15+$0x0] =	vst.idx.msk $0xffff, v9  }
0x37: {  	v9 =	vld [tilespmem:s30+$0xFFFFFFC0];
	p0 =	slt.u32 s29, $0x7F0;
	[tilespmem:v3+s15+$0x0] =	vst.idx.msk $0xffff, v6  }
0x38: {  	s26 =	sadd.s32 $0x80, s26;
	v11 =	vld [tilespmem:s30+$0xFFFFFFD0];
	[tilespmem:v2+s15+$0x0] =	vst.idx.msk $0xffff, v5  }
0x39: {  	v5 =	vld [tilespmem:s26+$0x30];
	[tilespmem:v1+s15+$0x0] =	vst.idx.msk $0xffff, v7  }
0x3a: {  	v12 =	vld [tilespmem:s30+$0xFFFFFFE0];
	[tilespmem:v0+s15+$0x0] =	vst.idx.msk $0xffff, v8  }
0x3b: {  	v4 =	vld [tilespmem:s30+$0xFFFFFFF0]  }
0x3c: {  	v3 =	vld [tilespmem:s30+$0x0];
	v0 =	vmov v9  }
0x3d: {  	v2 =	vld [tilespmem:s30+$0x10]  }
0x3e: {  	v1 =	vld [tilespmem:s30+$0x20];
	[tilespmem:v10+s15+$0x0] =	vst.idx.msk $0xffff, v5  }
0x3f: {  	v7 =	vld [tilespmem:s26+$0xFFFFFFD0]  }
0x40: {  	v10 =	vld [tilespmem:s26+$0xFFFFFFE0]  }
.Ltmp0:
0x41: {  	v9 =	vld [tilespmem:s26+$0xFFFFFFF0];
	(pc) =	sbr.rel @p0 .LBB2_3-.Ltmp0, $4  }
0x42: {  	v6 =	vld [tilespmem:s26+$0x0]  }
0x43: {  	v5 =	vld [tilespmem:s26+$0x10]  }
0x44: {  	[tilespmem:v11+s15+$0x0] =	vst.idx.msk $0xffff, v7;
	v7 =	vld [tilespmem:s26+$0x20]  }
0x45: {  	s30 =	sadd.s32 $0x80, s30;
	v8 =	vld [tilespmem:s26+$0xFFFFFFC0];
	[tilespmem:v12+s15+$0x0] =	vst.idx.msk $0xffff, v10  }
0x46: {  	_ =	sdelay $0x3  }
0x47: {  	[tilespmem:v4+s15+$0x0] =	vst.idx.msk $0xffff, v9  }
0x48: {  	s26 =	sshll.u32 s25, $0xD;
	[tilespmem:v3+s15+$0x0] =	vst.idx.msk $0xffff, v6  }
0x49: {  	s26 =	sand.u32 $0x7F0000, s26;
	[tilespmem:v2+s15+$0x0] =	vst.idx.msk $0xffff, v5  }
0x4a: {  	s26 =	sor.u32 s28, s26;
	[tilespmem:v1+s15+$0x0] =	vst.idx.msk $0xffff, v7  }
0x4b: {  	s28 =	sadd.s32 s7, s26;
	[tilespmem:v0+s15+$0x0] =	vst.idx.msk $0xffff, v8  }
0x4c: {  	[hbm4b:s28+s16] =	stream.strided.scatter [tilespmem:s15], [sflag:$0x2], $0x4000, s17, s16, $0x38;
	[tilespmem:$0x1FF00] =	vst v63  }
0x4d: {  	s30 =	sadd.s32 s26, s9  }
0x4e: {  	[hbm4b:s30+s16] =	stream.strided.scatter [tilespmem:s19], [sflag:$0x2], $0x4000, s17, s16, $0x38;
	[tilespmem:$0x1FF00] =	vst v63  }
0x4f: {  	p0 =	seq.s32 s24, $0x1F;
	s31 =	sadd.s32 s26, s10  }
0x50: {  	[hbm4b:s31+s16] =	stream.strided.scatter [tilespmem:s20], [sflag:$0x2], $0x4000, s17, s16, $0x38;
	[tilespmem:$0x1FF00] =	vst v63  }
0x51: {  	s25 =	sadd.s32 @!p0 $0x1, s25;
	s26 =	sadd.s32 s26, s11  }
0x52: {  	[hbm4b:s26+s16] =	stream.strided.scatter [tilespmem:s21], [sflag:$0x2], $0x4000, s17, s16, $0x38;
	[tilespmem:$0x1FF00] =	vst v63  }
0x53: {  	s26 =	sshrl.u32 @!p0 s25, $0x3  }
0x54: {  	s25 =	sshll.u32 @!p0 s25, $0x7;
	s26 =	smul.u32 @!p0 $0x3FC00, s26  }
0x55: {  	s25 =	sand.u32 @!p0 $0x380, s25  }
0x56: {  	s24 =	sadd.s32 @!p0 $0x1, s24;
	s25 =	sor.u32 @!p0 s25, s26  }
0x57: {  	s29 =	simm.s32 @!p0 $0x0;
	p1 =	sne.s32 @!p0 s24, $0x20;
	s25 =	sshrl.u32 @!p0 s25, $0x3  }
0x58: {  	s28 =	simm.s32 @!p0 $0x400;
	s26 =	simm.s32 @!p0 $0x80;
	s25 =	sadd.s32 @!p0 s1, s25  }
0x59: {  	[tilespmem:s29], [sflag:$0x1] =	stream.strided.gather @!p0 [hbm4b:s25+s26], $0x7F80, s28, s26, $0x38;
	[tilespmem:$0x1FF00] =	vst v63  }
0x5a: {  	p0 =	por p0, !p1  }
.Ltmp1:
0x5b: {  	_ = 	snop;
	(pc) =	sbr.rel @!p0 .LBB2_2-.Ltmp1, $1  }
0x5c: {  	_ =	sdelay $0x3  }
0x5d: {  	_ =	swait.ge [sflag:s22], $0x4000  }
0x5e: {  	[sflag:s22] =	ssyncset.done $0x0  }
0x5f: {  	[sflag:s22] =	ssyncadd.s32 $0xFFFFC000  }
0x60: {  	_ =	swait.ge [sflag:s22], $0x4000  }
0x61: {  	[sflag:s22] =	ssyncset.done $0x0  }
0x62: {  	s23 =	sadd.s32 $0x1, s23;
	[sflag:s22] =	ssyncadd.s32 $0xFFFFC000  }
0x63: {  	p0 =	sne.s32 s23, s12;
	_ =	swait.ge [sflag:s22], $0x4000  }
.Ltmp2:
0x64: {  	[sflag:s22] =	ssyncset.done $0x0;
	(pc) =	sbr.rel @p0 .LBB2_1-.Ltmp2, $4  }
0x65: {  	[sflag:s22] =	ssyncadd.s32 $0xFFFFC000  }
0x66: {  	_ =	swait.ge [sflag:s22], $0x4000  }
0x67: {  	[sflag:s22] =	ssyncset.done $0x0  }
0x68: {  	[sflag:s22] =	ssyncadd.s32 $0xFFFFC000  }
0x69: {  	_ =	sfence.sel $0x180000  }
0x6a: {  	[bflag:$0x0] =	sbarrier.arrive $0xFFFF  }
0x6b: {  	p0 =	sne.s32 s0, $0x0;
	_ =	strace $0x90000047  }
0x6c: {  	s0 =	sadd.s32 @!p0 $0x100000, s2;
	[bflag:$0x2] =	sbarrier.arrive $0xFFFF  }
0x6d: {  	[sflag:s0] =	ssyncadd.tile.s32 @!p0 $0x1;
	_ =	shalt  }
.Lfunc_end2:
_tile_overlayer_lowered:
.L_overlay_start_2:
0x6e: {  	(tag) =	ssettag $0x2  }
0x6f: {  	s0 =	rddreg [dreg:$0x0];
	s2 =	stileid.u32  }
0x70: {  	s1 =	rddreg [dreg:$0x1];
	p0 =	sne.s32 s2, $0x0  }
0x71: {  	s3 =	rddreg [dreg:$0x2];
	[bflag:$0x3] =	sbarrier.arrive $0xFFFF;
	s2 =	simm.s32 @!p0 $0x1C03  }
0x72: {  	[timem:s3], [sflag:s2] =	dma.local @!p0 [hbm:s0], s1  }
0x73: {  	s0 =	simm.s32 @!p0 $0x3  }
0x74: {  	_ =	swait.ge @!p0 [sflag:s0], s1  }
0x75: {  	s1 =	ssub.s32 @!p0 $0x0, s1;
	[sflag:s0] =	ssyncset.done @!p0 $0x0  }
0x76: {  	[sflag:s0] =	ssyncadd.s32 @!p0 s1  }
0x77: {  	[bflag:$0x3] =	sbarrier.arrive $0xFFFF  }
0x78: {  	_ =	shalt  }

// kernel: sparse-core-data-format-call.cloned.1.call-start
scs
called_computation_lowered:
.L_overlay_start_0:
0x0: {  	s2 =	sld [smem:$0x3FD9]  }
0x1: {  	s3 =	sld [smem:$0x3FFE];
	_ =	sdelay $0x1  }
0x2: {  	s1 =	srdreg.scid  }
0x3: {  	s0 =	sand.u32 $0x1, s1  }
0x4: {  	s18 =	sshll.u32 s0, $0xA;
	s2 =	sadd.s32 s3, s2  }
0x5: {  	s2 =	sadd.s32 s2, s18  }
0x6: {  	[smem:$0x3FC6] =	sst s2  }
0x7: {  	_ = 	snop  }
0x8: {  	s2 =	sld [smem:$0x3FD0];
	(tm) =	ssettm $0x1  }
0x9: {  	s19 =	sld [smem:$0x3FFB];
	_ =	sdelay $0x3  }
0xa: {  	_ =	strace s19  }
0xb: {  	s3 =	sld [smem:$0x3FFC];
	_ =	sdelay $0x3  }
0xc: {  	_ =	strace s3  }
0xd: {  	s3 =	sld [smem:$0x3FFD];
	_ =	sdelay $0x3  }
0xe: {  	_ =	strace s3  }
0xf: {  	_ =	strace $0x8FFFFFFF  }
0x10: {  	s20 =	sld [smem:$0x3FDB];
	_ =	sdelay $0x1  }
0x11: {  	s4 =	simm.s32 $_scs_section_size  }
0x12: {  	s5 =	simm.s32 $_size__tile_overlayer_lowered;
	s6 =	simm.s32 $_tile_overlayer_lowered  }
0x13: {  	s23 =	simm.s32 $0x1BFF;
	s22 =	sshll.u32 s6, $0x1;
	s3 =	sadd.s32 s4, s20  }
0x14: {  	s7 =	simm.s32 $0x0;
	s21 =	sshll.u32 s5, $0x1;
	s5 =	sadd.s32 s22, s3  }
0x15: {  	[timem:s7], [sflag:s23] =	dma.local [hbm:s5], s21  }
0x16: {  	_ =	swait.ge [sflag:s23], s21  }
0x17: {  	s4 =	ssub.s32 $0x0, s21;
	[sflag:s23] =	ssyncset.done $0x0  }
0x18: {  	[sflag:s23] =	ssyncadd.s32 s4;
	_ =	sdelay $0x1  }
0x19: {  	s24 =	simm.s32 $0x1B8B  }
0x1a: {  	_ =	swait.ge [sflag:s24], $0x1  }
0x1b: {  	[sflag:s24] =	ssyncset.done $0x0  }
0x1c: {  	s26 =	simm.s32 $0x1B8E;
	s25 =	sld [smem:$0x3FFE];
	[sflag:s24] =	ssyncadd.s32 $0xFFFFFFFF  }
0x1d: {  	s27 =	simm.s32 $execute0_lowered;
	[smem:$0x3FD2] =	sst s26  }
0x1e: {  	s5 =	sshll.u32 s27, $0x1;
	_ =	strace $0x80000049;
	[dreg:$0x1] =	wrdreg $0xFFFFFFFF  }
0x1f: {  	s28 =	simm.s32 $_size_execute0_lowered;
	s3 =	sadd.s32 s3, s5;
	[dreg:$0x0] =	wrdreg $0x0  }
0x20: {  	s5 =	sshll.u32 s28, $0x1;
	[dreg:$0x2] =	wrdreg s3  }
0x21: {  	[dreg:$0x3] =	wrdreg s5  }
0x22: {  	[dreg:$0x4] =	wrdreg $0xC0  }
0x23: {  	_ =	task [dreg:s7], $0x5FFFF  }
0x24: {  	[dreg:$0x1] =	wrdreg $0xFFFFFFFF  }
0x25: {  	[dreg:$0x0] =	wrdreg $0x60  }
0x26: {  	[dreg:$0x2] =	wrdreg s25  }
0x27: {  	[dreg:$0x3] =	wrdreg s2  }
0x28: {  	[dreg:$0x4] =	wrdreg $0x9  }
0x29: {  	_ =	task.clear_ibuf [dreg:s7], $0x5FFFF;
	_ =	strace $0x90000049  }
0x2a: {  	s29 =	simm.s32 $0x9;
	_ =	strace $0x8000004B  }
0x2b: {  	_ =	swait.ge [sflag:s29], $0x1  }
0x2c: {  	[sflag:s29] =	ssyncadd.s32 $0xFFFFFFFF  }
0x2d: {  	_ =	strace $0x9000004B  }
0x2e: {  	_ =	sfence  }
0x2f: {  	s30 =	sld [smem:$0x0];
	_ =	sdelay $0x2  }
0x30: {  	s31 =	sshll.u32 s1, $0xD;
	s1 =	sshrl.u32 s1, $0x2  }
0x31: {  	s3 =	sand.u32 $0x4000, s31;
	s1 =	sadd.s32 s1, s30  }
0x32: {  	s0 =	sor.u32 s3, s0;
	s1 =	sshll.u32 s1, $0x11  }
0x33: {  	s0 =	sor.u32 s1, s0  }
0x34: {  	s0 =	sadd.s32 $0x8F2B, s0  }
0x35: {  	[sflag:s0] =	ssyncadd.remote.s32 $0x1  }
0x36: {  	_ =	sfence.sel $0xFFFF  }
0x37: {  	[dreg:$0x0] =	wrdreg $0xFFFFFFFF;
	(pc) =	sbr.abs _section_cstart, $3  }
0x38: {  	[dreg:$0x1] =	wrdreg $0xFFFFFFFF  }
0x39: {  	_ =	task.clear_ibuf [dreg:s7], $0x2FFFF;
	_ =	strace $0x9FFFFFFF  }
0x3a: {  	(tm) =	ssettm $0x7FFFFFFF  }
0x3b: {  	_ =	shalt  }
tec
execute0_lowered:
.L_overlay_start_1:
0x0: {  	(tag) =	ssettag $0x1  }
0x1: {  	s1 =	rddreg [dreg:$0x0]  }
0x2: {  	s2 =	rddreg [dreg:$0x1]  }
0x3: {  	s0 =	rddreg [dreg:$0x2]  }
0x4: {  	_ =	strace $0x8000004A;
	s4 =	srdreg.scid;
	s6 =	simm.s32 $0x2  }
0x5: {  	s11 =	simm.s32 $0x0;
	p0 =	por $0x0, $0x0;
	s7 =	simm.s32 $0x10000  }
.Ltmp0:
0x6: {  	s12 =	simm.s32 $0x0;
	s9 =	simm.s32 $0x0;
	(pc) =	sbr.rel .LBB1_1-.Ltmp0, $4  }
0x7: {  	s8 =	simm.s32 $0x0;
	s3 =	sadd.s32 $0x1800, s1;
	s5 =	sshll.u32 s4, $0x4  }
0x8: {  	s1 =	stileid.u32;
	s4 =	simm.s32 $0x1;
	s5 =	sand.u32 $0x10, s5  }
0x9: {  	s18 =	simm.s32 $0x0;
	[sflag:s4] =	ssyncpa.u1 $0x0;
	s5 =	sor.u32 s1, s5  }
0xa: {  	[sflag:s6] =	ssyncpa.u1 $0x0;
	s6 =	simm.s32 $0x800;
	s10 =	smov.u32 s5  }
.LBB1_7:
0xb: {  	s13 =	sadd.s32 $0x8, s9  }
0xc: {  	s11 =	sadd.s32 $0x20, s10;
	s15 =	smov.u32 s10;
	p2 =	sgt.s32 s13, $0xFF  }
0xd: {  	p1 =	slt.u32 s8, $0x2;
	s15 =	smov.u32 @p2 s11  }
0xe: {  	s8 =	sadd.s32 $0x1, s8;
	s13 =	simm.s32 @p2 $0x0;
	p2 =	sgt.s32 s15, $0x7F  }
0xf: {  	s15 =	smov.u32 @p2 s5;
	p2 =	sne.s32 s8, $0x82  }
.Ltmp1:
0x10: {  	_ = 	snop;
	(pc) =	sbr.rel @!p2 .LBB1_8-.Ltmp1, $4  }
0x11: {  	s14 =	simm.s32 @!p1 $0x2  }
0x12: {  	s12 =	smov.u32 s10;
	_ =	swait.ge @!p1 [sflag:s14], $0x4000  }
0x13: {  	p0 =	por !p0, !p0;
	s11 =	smov.u32 s9;
	[sflag:s14] =	ssyncset.done @!p1 $0x0  }
0x14: {  	s9 =	smov.u32 s13;
	[sflag:s14] =	ssyncadd.s32 @!p1 $0xFFFFC000;
	s10 =	smov.u32 s15  }
.LBB1_1:
0x15: {  	p1 =	sgt.u32 s8, $0x7F  }
0x16: {  	s13 =	sxor.u32 @!p1 $0xFFFFFFFF, s8;
	s14 =	sshll.u32 @!p1 s10, $0x10  }
0x17: {  	s15 =	sshll.u32 @!p1 s9, $0x8;
	s13 =	sshll.u32 @!p1 s13, $0xE;
	s14 =	sadd.s32 @!p1 s3, s14  }
0x18: {  	s13 =	sand.u32 @!p1 $0x4000, s13;
	s14 =	sadd.s32 @!p1 s15, s14;
	s15 =	simm.s32 @!p1 $0x0  }
0x19: {  	[tilespmem:s13], [sflag:$0x1] =	stream.linear.gather @!p1 [hbm4b:s14+s15], $0x4000, $0x38;
	[tilespmem:$0x10000] =	vst v63  }
0x1a: {  	p1 =	seq.s32 s8, $0x0  }
0x1b: {  	p2 =	seq.s32 @!p1 s8, $0x81  }
0x1c: {  	p1 =	por p1, p2  }
.Ltmp2:
0x1d: {  	_ = 	snop;
	(pc) =	sbr.rel @p1 .LBB1_7-.Ltmp2, $1  }
0x1e: {  	_ =	sdelay $0x3  }
0x1f: {  	s13 =	simm.s32 $0x1  }
0x20: {  	_ =	swait.ge [sflag:s4], $0x4000;
	s31 =	sshll.u32 s8, $0xE;
	p1 =	por $0x0, $0x0  }
0x21: {  	s19 =	simm.s32 $0x0;
	s20 =	simm.s32 $0x0;
	s13 =	simm.s32 @!p0 $0x0  }
0x22: {  	[sflag:s4] =	ssyncset.done $0x0;
	s16 =	sand.u32 $0x4000, s31;
	s13 =	sshll.u32 s13, $0x10  }
0x23: {  	[sflag:s4] =	ssyncadd.s32 $0xFFFFC000;
	s17 =	sshrl.u32 s13, $0x2;
	s13 =	sor.u32 $0x8000, s16  }
0x24: {  	s14 =	sor.u32 $0x40, s17;
	s15 =	sor.u32 $0x8410, s17;
	s17 =	sadd.s32 $0x8400, s17  }
.LBB1_3:
0x25: {  	v1 =	vld [tilespmem:s14+$0xFFFFFFD0]  }
0x26: {  	v2 =	vld [tilespmem:s14+$0x430]  }
0x27: {  	s21 =	sshll.u32 s20, $0xB;
	v4 =	vld [tilespmem:s14+$0xFFFFFFE0]  }
0x28: {  	v7 =	vld [tilespmem:s14+$0xFFFFFFF0];
	v0 =	vmov s21  }
0x29: {  	v8 =	vld [tilespmem:s14+$0x0]  }
0x2a: {  	s30 =	sand.u32 $0x300, s18;
	v9 =	vld [tilespmem:s14+$0x10]  }
0x2b: {  	s22 =	sand.u32 $0x80, s18;
	v10 =	vld [tilespmem:s14+$0x20];
	s21 =	sadd.s32 s30, s16  }
0x2c: {  	v11 =	vld [tilespmem:s14+$0x30];
	s21 =	sadd.s32 s22, s21;
	s22 =	simm.s32 $0x1;
	[tilespmem:s15+$0x60] =	vst v2  }
0x2d: {  	s31 =	sshll.u32 s19, $0x2;
	s22 =	simm.s32 @!p1 $0x0;
	[tilespmem:s15+$0xFFFFFC00] =	vst v1;
	v3 =	vld.idx.msk [tilespmem:v0+s21+$0x400 ss:$0x1], $0xffff  }
0x2e: {  	v6 =	vld [tilespmem:s14+$0x3D0];
	s22 =	sshll.u32 s22, $0x9;
	[tilespmem:s15+$0xFFFFFC10] =	vst v4;
	s21 =	sand.u32 $0xFFFFFC00, s31  }
0x2f: {  	v5 =	vld [tilespmem:s14+$0x3E0];
	[tilespmem:s15+$0xFFFFFC20] =	vst v7;
	s21 =	sor.u32 s22, s21  }
0x30: {  	[tilespmem:s15+$0xFFFFFC30] =	vst v8;
	v4 =	vld [tilespmem:s14+$0x400];
	s21 =	sshrl.u32 s21, $0x2  }
0x31: {  	[tilespmem:s15+$0xFFFFFC40] =	vst v9;
	v1 =	vld [tilespmem:s14+$0x410];
	s21 =	sadd.s32 s21, s17  }
0x32: {  	[tilespmem:s21+$0x0] =	vst v3;
	v3 =	vld [tilespmem:s14+$0x3F0]  }
0x33: {  	s25 =	simm.s32 $0x80;
	s24 =	simm.s32 $0x100;
	[tilespmem:s15+$0xFFFFFC50] =	vst v10;
	v2 =	vld [tilespmem:s14+$0x420]  }
0x34: {  	s23 =	smov.u32 s15;
	s26 =	sand.u32 $0x300, s25;
	v7 =	vld [tilespmem:s14+$0xFFFFFFC0];
	[tilespmem:s15+$0xFFFFFC60] =	vst v11;
	s22 =	sadd.s32 $0x80, s14  }
.LBB1_4:
0x35: {  	p2 =	sne.s32 s24, $0x380;
	v8 =	vld [tilespmem:s22+$0xFFFFFFD0];
	s25 =	sand.u32 $0x80, s25;
	s26 =	sadd.s32 s26, s16;
	[tilespmem:s23+$0x0] =	vst v6  }
0x36: {  	s26 =	sadd.s32 s25, s26;
	v6 =	vld [tilespmem:s22+$0x430];
	[tilespmem:s23+$0x10] =	vst v5;
	s25 =	smov.u32 s24  }
0x37: {  	v5 =	vld.idx.msk [tilespmem:v0+s26+$0x400 ss:$0x1], $0xffff;
	[tilespmem:s23+$0x20] =	vst v3  }
0x38: {  	v3 =	vld [tilespmem:s22+$0xFFFFFFE0];
	[tilespmem:s23+$0x30] =	vst v4  }
0x39: {  	v4 =	vld [tilespmem:s22+$0xFFFFFFF0];
	[tilespmem:s23+$0xFFFFFBF0] =	vst v7  }
0x3a: {  	v7 =	vld [tilespmem:s22+$0x0];
	[tilespmem:s23+$0x40] =	vst v1  }
0x3b: {  	v1 =	vld [tilespmem:s22+$0x10];
	[tilespmem:s23+$0x50] =	vst v2;
	s23 =	sadd.s32 $0x800, s23  }
0x3c: {  	s21 =	sadd.s32 $0x800, s21;
	v2 =	vld [tilespmem:s22+$0x20];
	[tilespmem:s23+$0x60] =	vst v6  }
0x3d: {  	v9 =	vld [tilespmem:s22+$0x30];
	[tilespmem:s21+$0x0] =	vst v5  }
0x3e: {  	[tilespmem:s23+$0xFFFFFC00] =	vst v8;
	v6 =	vld [tilespmem:s22+$0x3D0]  }
0x3f: {  	[tilespmem:s23+$0xFFFFFC10] =	vst v3;
	v5 =	vld [tilespmem:s22+$0x3E0]  }
.Ltmp3:
0x40: {  	[tilespmem:s23+$0xFFFFFC20] =	vst v4;
	v3 =	vld [tilespmem:s22+$0x3F0];
	(pc) =	sbr.rel @p2 .LBB1_4-.Ltmp3, $4  }
0x41: {  	[tilespmem:s23+$0xFFFFFC30] =	vst v7;
	v4 =	vld [tilespmem:s22+$0x400]  }
0x42: {  	[tilespmem:s23+$0xFFFFFC40] =	vst v1;
	v1 =	vld [tilespmem:s22+$0x410]  }
0x43: {  	[tilespmem:s23+$0xFFFFFC50] =	vst v2;
	v2 =	vld [tilespmem:s22+$0x420]  }
0x44: {  	s24 =	sadd.s32 $0x80, s24;
	s26 =	sand.u32 $0x300, s25;
	v7 =	vld [tilespmem:s22+$0xFFFFFFC0];
	[tilespmem:s23+$0xFFFFFC60] =	vst v9;
	s22 =	sadd.s32 $0x80, s22  }
0x45: {  	[tilespmem:s23+$0x0] =	vst v6  }
0x46: {  	[tilespmem:s23+$0x10] =	vst v5  }
0x47: {  	v49 =	vld [tilespmem:s22+$0x430];
	[tilespmem:s23+$0x20] =	vst v3  }
0x48: {  	v50 =	vld [tilespmem:s22+$0xFFFFFFD0];
	[tilespmem:s23+$0x30] =	vst v4  }
0x49: {  	v51 =	vld [tilespmem:s22+$0xFFFFFFE0];
	[tilespmem:s23+$0x40] =	vst v1  }
0x4a: {  	v52 =	vld [tilespmem:s22+$0xFFFFFFF0];
	[tilespmem:s23+$0x50] =	vst v2  }
0x4b: {  	s31 =	sadd.s32 $0x800, s23;
	v53 =	vld [tilespmem:s22+$0x0];
	[tilespmem:s23+$0xFFFFFBF0] =	vst v7  }
0x4c: {  	v54 =	vld [tilespmem:s22+$0x10];
	[tilespmem:s31+$0x60] =	vst v49  }
0x4d: {  	v55 =	vld [tilespmem:s22+$0x20];
	[tilespmem:s31+$0xFFFFFC00] =	vst v50  }
0x4e: {  	v56 =	vld [tilespmem:s22+$0x30];
	[tilespmem:s31+$0xFFFFFC10] =	vst v51  }
0x4f: {  	v57 =	vld [tilespmem:s22+$0x3D0];
	[tilespmem:s31+$0xFFFFFC20] =	vst v52  }
0x50: {  	v58 =	vld [tilespmem:s22+$0x3E0];
	[tilespmem:s31+$0xFFFFFC30] =	vst v53  }
0x51: {  	v59 =	vld [tilespmem:s22+$0x3F0];
	[tilespmem:s31+$0xFFFFFC40] =	vst v54  }
0x52: {  	v60 =	vld [tilespmem:s22+$0x400];
	[tilespmem:s31+$0xFFFFFC50] =	vst v55  }
0x53: {  	v61 =	vld [tilespmem:s22+$0xFFFFFFC0];
	[tilespmem:s31+$0xFFFFFC60] =	vst v56  }
0x54: {  	s24 =	sand.u32 $0x80, s25;
	s30 =	sadd.s32 s26, s16;
	v62 =	vld [tilespmem:s22+$0x410];
	[tilespmem:s31+$0x0] =	vst v57  }
0x55: {  	v63 =	vld [tilespmem:s22+$0x420];
	s20 =	sadd.s32 $0x1, s20;
	s24 =	sadd.s32 s24, s30;
	[tilespmem:s31+$0x10] =	vst v58  }
0x56: {  	p2 =	sne.s32 s20, $0x8;
	v0 =	vld.idx.msk [tilespmem:v0+s24+$0x400 ss:$0x1], $0xffff;
	[tilespmem:s31+$0x20] =	vst v59  }
.Ltmp4:
0x57: {  	[tilespmem:s31+$0x30] =	vst v60;
	(pc) =	sbr.rel @p2 .LBB1_3-.Ltmp4, $4  }
0x58: {  	[tilespmem:s31+$0xFFFFFBF0] =	vst v61  }
0x59: {  	[tilespmem:s31+$0x40] =	vst v62  }
0x5a: {  	s21 =	sadd.s32 $0x800, s21;
	s14 =	sadd.s32 $0x800, s14;
	[tilespmem:s31+$0x50] =	vst v63  }
0x5b: {  	s19 =	sadd.s32 $0x80, s19;
	p1 =	por !p1, !p1;
	s15 =	sadd.s32 $0x80, s15;
	[tilespmem:s21+$0x0] =	vst v0  }
0x5c: {  	s14 =	sshll.u32 s11, $0x8;
	s31 =	sshll.u32 s11, $0x7  }
.Ltmp5:
0x5d: {  	s14 =	sand.u32 $0xF800, s14;
	s11 =	sand.u32 $0x380, s31;
	(pc) =	sbr.rel .LBB1_7-.Ltmp5, $4  }
0x5e: {  	s12 =	sshll.u32 s12, $0x10;
	s11 =	sor.u32 s11, s14  }
0x5f: {  	s12 =	sadd.s32 s2, s12;
	s11 =	sshrl.u32 s11, $0x3  }
0x60: {  	s11 =	sadd.s32 s11, s12  }
0x61: {  	[hbm4b:s11+s6] =	stream.strided.scatter [tilespmem:s13], [sflag:$0x2], $0x4000, s7, s6, $0x38;
	[tilespmem:$0x10000] =	vst v63  }
.LBB1_8:
0x62: {  	_ =	sfence.sel $0x180000  }
0x63: {  	s2 =	simm.s32 $0x1;
	[bflag:$0x0] =	sbarrier.arrive $0xFFFF  }
0x64: {  	s31 =	simm.s32 $0x2;
	[sflag:s2] =	ssyncpa.u1 $0x1  }
0x65: {  	[sflag:s31] =	ssyncpa.u1 $0x1  }
0x66: {  	p0 =	sne.s32 s1, $0x0;
	_ =	strace $0x9000004A  }
0x67: {  	s0 =	sadd.s32 @!p0 $0x100000, s0;
	[bflag:$0x2] =	sbarrier.arrive $0xFFFF  }
0x68: {  	[sflag:s0] =	ssyncadd.tile.s32 @!p0 $0x1;
	_ =	shalt  }
.Lfunc_end1:
_tile_overlayer_lowered:
.L_overlay_start_2:
0x69: {  	(tag) =	ssettag $0x2  }
0x6a: {  	s0 =	rddreg [dreg:$0x0];
	s2 =	stileid.u32  }
0x6b: {  	s1 =	rddreg [dreg:$0x1];
	p0 =	sne.s32 s2, $0x0  }
0x6c: {  	s3 =	rddreg [dreg:$0x2];
	[bflag:$0x3] =	sbarrier.arrive $0xFFFF;
	s2 =	simm.s32 @!p0 $0x1C01  }
0x6d: {  	[timem:s3], [sflag:s2] =	dma.local @!p0 [hbm:s0], s1  }
0x6e: {  	s0 =	simm.s32 @!p0 $0x1  }
0x6f: {  	_ =	swait.ge @!p0 [sflag:s0], s1  }
0x70: {  	s1 =	ssub.s32 @!p0 $0x0, s1;
	[sflag:s0] =	ssyncset.done @!p0 $0x0  }
0x71: {  	[sflag:s0] =	ssyncadd.s32 @!p0 s1  }
0x72: {  	[bflag:$0x3] =	sbarrier.arrive $0xFFFF  }
0x73: {  	_ =	shalt  }

</sc_bundles>
